<compile_context>
chip_gen: v7x
topology: tpu7x:2x2x1
jax: 0.10.2.dev20260603
libtpu: 0.0.44.dev20260713+nightly
codegen_flags: <defaults>
</compile_context>

<pallas_src>
import functools

import jax
import jax.numpy as jnp
from jax import lax
from jax.experimental import pallas as pl
from jax.experimental.pallas import tpu as pltpu
from jax.experimental.pallas import tpu_sc as plsc

T_ROWS = 2000
DIM = 128
B = 16384

_info = plsc.get_sparse_core_info()
NC, NS, L = _info.num_cores, _info.num_subcores, _info.num_lanes
NW = NC * NS
B_PER_W = B // NW
CHUNK = 128
NCHUNK = B_PER_W // CHUNK
ROWS_PER_SUB = 128


def _make_kernel():
    mesh = plsc.VectorSubcoreMesh(core_axis_name="c", subcore_axis_name="s")

    @functools.partial(
        pl.kernel,
        mesh=mesh,
        out_type=jax.ShapeDtypeStruct((B, DIM), jnp.float32),
        scratch_types=[
            pltpu.VMEM((NCHUNK, CHUNK), jnp.int32),
            pltpu.VMEM((B_PER_W, DIM), jnp.float32),
            pltpu.VMEM_SHARED((T_ROWS, DIM), jnp.float32),
            pltpu.SemaphoreType.DMA,
            pltpu.SemaphoreType.DMA,
            pltpu.SemaphoreType.DMA,
        ],
    )
    def gather_kernel(
        t_hbm, table_hbm, out_hbm, idx_v, rows_v, tab_s, gsem, ssem, tsem
    ):
        cid = lax.axis_index("c")
        sid = lax.axis_index("s")
        wid = sid * NC + cid
        base = wid * B_PER_W
        tab_base = jnp.minimum(sid * ROWS_PER_SUB, T_ROWS - ROWS_PER_SUB)
        stage = pltpu.async_copy(
            table_hbm.at[pl.ds(tab_base, ROWS_PER_SUB)],
            tab_s.at[pl.ds(tab_base, ROWS_PER_SUB)],
            tsem,
        )

        pltpu.sync_copy(t_hbm.at[wid], idx_v)
        gathers = [
            pltpu.async_copy(
                table_hbm.at[idx_v.at[0]], rows_v.at[pl.ds(0, CHUNK)], gsem
            )
        ]
        stage.wait()
        plsc.subcore_barrier()
        for j in range(1, NCHUNK):
            gathers.append(
                pltpu.async_copy(
                    tab_s.at[idx_v.at[j]],
                    rows_v.at[pl.ds(j * CHUNK, CHUNK)],
                    gsem,
                )
            )
        stores = []
        for j in range(NCHUNK):
            gathers[j].wait()
            stores.append(
                pltpu.async_copy(
                    rows_v.at[pl.ds(j * CHUNK, CHUNK)],
                    out_hbm.at[pl.ds(base + j * CHUNK, CHUNK)],
                    ssem,
                )
            )
        for d in stores:
            d.wait()

    return gather_kernel


_gather = _make_kernel()


@jax.jit
def kernel(t, pos_embeds):
    t_grouped = t.astype(jnp.int32).reshape(NW, NCHUNK, CHUNK)
    return _gather(t_grouped, pos_embeds)

# --- scband reference (transcript-rebuilt; emitter-appended) ---
"""Pipeline reference for scband-time-embedding-89017492177597 (READ-ONLY COPY).

The authoritative reference and input builder live on the scoring server;
editing this copy changes nothing except your own understanding.
"""

import jax, jax.numpy as jnp
import numpy as np

T = 2000
DIM = 128

def _build_table():
    pos = jnp.arange(T, dtype=jnp.float32).reshape(-1, 1)
    div = jnp.power(10000.0, jnp.arange(0, DIM, 2, dtype=jnp.float32) / DIM)
    x = pos / div
    tab = jnp.zeros((T, DIM), dtype=jnp.float32)
    tab = tab.at[:, 0::2].set(jnp.sin(x))
    tab = tab.at[:, 1::2].set(jnp.cos(x))
    return tab

def setup_inputs(seed: int = 0) -> dict:
    key = jax.random.key(seed)
    t = jax.random.randint(key, (16384,), 0, T, dtype=jnp.int64 if jax.config.jax_enable_x64 else jnp.int32)
    pos_embeds = _build_table()
    return {"t": t, "pos_embeds": pos_embeds}

def reference(t, pos_embeds):
    out = jnp.take(pos_embeds, t, axis=0)
    return out.reshape(-1, DIM)

if __name__ == "__main__":
    import jax
    _d = setup_inputs()
    print(jax.jit(kernel)(*tuple(_d.values())))

</pallas_src>

<mosaic_0001>
#map = affine_map<(d0, d1) -> (0, 0, 0)>
#map1 = affine_map<(d0, d1) -> (0, 0)>
module attributes {stable_mosaic.version = 14 : i64} {
  func.func @gather_kernel(%arg0: i32, %arg1: i32, %arg2: memref<32x4x128xi32, #tpu.memory_space<hbm>>, %arg3: memref<2000x128xf32, #tpu.memory_space<hbm>>, %arg4: memref<16384x128xf32, #tpu.memory_space<hbm>>, %arg5: memref<4x128xi32, #tpu.memory_space<vmem>>, %arg6: memref<512x128xf32, #tpu.memory_space<vmem>>, %arg7: memref<2000x128xf32, #tpu.memory_space<vmem_shared>>, %arg8: memref<!tpu.dma_semaphore, #tpu.memory_space<semaphore_mem>>, %arg9: memref<!tpu.dma_semaphore, #tpu.memory_space<semaphore_mem>>, %arg10: memref<!tpu.dma_semaphore, #tpu.memory_space<semaphore_mem>>) attributes {dimension_semantics = [#tpu.dimension_semantics<core_parallel>, #tpu.dimension_semantics<subcore_parallel>], iteration_bounds = array<i64: 2, 16>, scalar_prefetch = 0 : i64, scratch_operands = 6 : i64, tpu.core_type = #tpu.core_type<sc_vector_subcore>, window_params = [{transform_indices = #map}, {transform_indices = #map1}, {transform_indices = #map1}]} {
    %mul3A = arith.constant 2 : i32
    %mul3A_0 = arith.muli %arg1, %mul3A : i32
    %add3A = arith.addi %mul3A_0, %arg0 : i32
    %mul3A_1 = arith.constant 512 : i32
    %mul3A_2 = arith.muli %add3A, %mul3A_1 : i32
    %mul3A_3 = arith.constant 128 : i32
    %mul3A_4 = arith.muli %arg1, %mul3A_3 : i32
    %min3A = arith.constant 1872 : i32
    %min3A_5 = arith.minsi %mul3A_4, %min3A : i32
    %dma_start3A = arith.constant 0 : i32
    %dma_start3A_6 = tpu.memref_slice %arg7[%min3A_5, %dma_start3A] : memref<2000x128xf32, #tpu.memory_space<vmem_shared>> -> memref<128x128xf32, #tpu.memory_space<vmem_shared>>
    %dma_start3A_7 = arith.constant 0 : i32
    %dma_start3A_8 = tpu.memref_slice %arg3[%min3A_5, %dma_start3A_7] : memref<2000x128xf32, #tpu.memory_space<hbm>> -> memref<128x128xf32, #tpu.memory_space<hbm>>
    tpu.enqueue_dma source(%dma_start3A_8 : memref<128x128xf32, #tpu.memory_space<hbm>>) target(%dma_start3A_6 : memref<128x128xf32, #tpu.memory_space<vmem_shared>>) target_semaphore(%arg10 : memref<!tpu.dma_semaphore, #tpu.memory_space<semaphore_mem>>)
    "tpu.region"() ({
      %run_scoped3A = tpu.sem_alloc : memref<!tpu.dma_semaphore, #tpu.memory_space<semaphore_mem>>
      %dma_start3A_180 = arith.constant 0 : i32
      %dma_start3A_181 = arith.constant 0 : i32
      %dma_start3A_182 = tpu.memref_slice %arg2[%add3A, %dma_start3A_180, %dma_start3A_181] : memref<32x4x128xi32, #tpu.memory_space<hbm>> -> memref<1x4x128xi32, #tpu.memory_space<hbm>>
      %dma_start3A_183 = tpu.memref_squeeze %dma_start3A_182 : memref<1x4x128xi32, #tpu.memory_space<hbm>> -> memref<4x128xi32, #tpu.memory_space<hbm>>
      %dma_start3A_184 = arith.constant 0 : i32
      %dma_start3A_185 = arith.constant 0 : i32
      %dma_start3A_186 = tpu.memref_slice %arg2[%add3A, %dma_start3A_184, %dma_start3A_185] : memref<32x4x128xi32, #tpu.memory_space<hbm>> -> memref<1x4x128xi32, #tpu.memory_space<hbm>>
      %dma_start3A_187 = tpu.memref_squeeze %dma_start3A_186 : memref<1x4x128xi32, #tpu.memory_space<hbm>> -> memref<4x128xi32, #tpu.memory_space<hbm>>
      tpu.enqueue_dma source(%dma_start3A_187 : memref<4x128xi32, #tpu.memory_space<hbm>>) target(%arg5 : memref<4x128xi32, #tpu.memory_space<vmem>>) target_semaphore(%run_scoped3A : memref<!tpu.dma_semaphore, #tpu.memory_space<semaphore_mem>>)
      %dma_wait3A_188 = arith.constant 0 : i32
      %dma_wait3A_189 = arith.constant 0 : i32
      %dma_wait3A_190 = tpu.memref_slice %arg2[%add3A, %dma_wait3A_188, %dma_wait3A_189] : memref<32x4x128xi32, #tpu.memory_space<hbm>> -> memref<1x4x128xi32, #tpu.memory_space<hbm>>
      %dma_wait3A_191 = tpu.memref_squeeze %dma_wait3A_190 : memref<1x4x128xi32, #tpu.memory_space<hbm>> -> memref<4x128xi32, #tpu.memory_space<hbm>>
      %dma_wait3A_192 = arith.constant 0 : i32
      %dma_wait3A_193 = arith.constant 0 : i32
      %dma_wait3A_194 = tpu.memref_slice %arg2[%add3A, %dma_wait3A_192, %dma_wait3A_193] : memref<32x4x128xi32, #tpu.memory_space<hbm>> -> memref<1x4x128xi32, #tpu.memory_space<hbm>>
      %dma_wait3A_195 = tpu.memref_squeeze %dma_wait3A_194 : memref<1x4x128xi32, #tpu.memory_space<hbm>> -> memref<4x128xi32, #tpu.memory_space<hbm>>
      tpu.wait_dma2 semaphore(%run_scoped3A : memref<!tpu.dma_semaphore, #tpu.memory_space<semaphore_mem>>) src(%dma_wait3A_195 : memref<4x128xi32, #tpu.memory_space<hbm>>) dst(%arg5 : memref<4x128xi32, #tpu.memory_space<vmem>>)
      tpu.yield
    }) : () -> ()
    %dma_start3A_9 = arith.constant 0 : i32
    %dma_start3A_10 = arith.constant 0 : i32
    %dma_start3A_11 = arith.constant 0 : i32
    %dma_start3A_12 = tpu.memref_slice %arg6[%dma_start3A_10, %dma_start3A_11] : memref<512x128xf32, #tpu.memory_space<vmem>> -> memref<128x128xf32, #tpu.memory_space<vmem>>
    %dma_start3A_13 = arith.constant 0 : i32
    %dma_start3A_14 = tpu.memref_slice %arg5[%dma_start3A_9, %dma_start3A_13] : memref<4x128xi32, #tpu.memory_space<vmem>> -> memref<1x128xi32, #tpu.memory_space<vmem>>
    %dma_start3A_15 = tpu.memref_squeeze %dma_start3A_14 : memref<1x128xi32, #tpu.memory_space<vmem>> -> memref<128xi32, #tpu.memory_space<vmem>>
    %dma_start3A_16 = arith.constant 0 : i32
    %dma_start3A_17 = arith.constant 0 : i32
    %dma_start3A_18 = tpu.memref_slice %arg3[%dma_start3A_16, %dma_start3A_17] : memref<2000x128xf32, #tpu.memory_space<hbm>> -> memref<2000x128xf32, #tpu.memory_space<hbm>>
    tpu.enqueue_indirect_dma source(%dma_start3A_18 : memref<2000x128xf32, #tpu.memory_space<hbm>>) target(%dma_start3A_12 : memref<128x128xf32, #tpu.memory_space<vmem>>) offsets(%dma_start3A_15 : memref<128xi32, #tpu.memory_space<vmem>>) semaphore(%arg8 : memref<!tpu.dma_semaphore, #tpu.memory_space<semaphore_mem>>)
    %dma_wait3A = arith.constant 0 : i32
    %dma_wait3A_19 = tpu.memref_slice %arg7[%min3A_5, %dma_wait3A] : memref<2000x128xf32, #tpu.memory_space<vmem_shared>> -> memref<128x128xf32, #tpu.memory_space<vmem_shared>>
    %dma_wait3A_20 = arith.constant 0 : i32
    %dma_wait3A_21 = tpu.memref_slice %arg3[%min3A_5, %dma_wait3A_20] : memref<2000x128xf32, #tpu.memory_space<hbm>> -> memref<128x128xf32, #tpu.memory_space<hbm>>
    tpu.wait_dma2 semaphore(%arg10 : memref<!tpu.dma_semaphore, #tpu.memory_space<semaphore_mem>>) src(%dma_wait3A_21 : memref<128x128xf32, #tpu.memory_space<hbm>>) dst(%dma_wait3A_19 : memref<128x128xf32, #tpu.memory_space<vmem_shared>>)
    %barrier3A = arith.constant 0 : index
    tpu.barrier barrier_id(%barrier3A)
    %dma_start3A_22 = arith.constant 1 : i32
    %dma_start3A_23 = arith.constant 128 : i32
    %dma_start3A_24 = arith.constant 0 : i32
    %dma_start3A_25 = tpu.memref_slice %arg6[%dma_start3A_23, %dma_start3A_24] : memref<512x128xf32, #tpu.memory_space<vmem>> -> memref<128x128xf32, #tpu.memory_space<vmem>>
    %dma_start3A_26 = arith.constant 0 : i32
    %dma_start3A_27 = tpu.memref_slice %arg5[%dma_start3A_22, %dma_start3A_26] : memref<4x128xi32, #tpu.memory_space<vmem>> -> memref<1x128xi32, #tpu.memory_space<vmem>>
    %dma_start3A_28 = tpu.memref_squeeze %dma_start3A_27 : memref<1x128xi32, #tpu.memory_space<vmem>> -> memref<128xi32, #tpu.memory_space<vmem>>
    %dma_start3A_29 = arith.constant 0 : i32
    %dma_start3A_30 = arith.constant 0 : i32
    %dma_start3A_31 = tpu.memref_slice %arg7[%dma_start3A_29, %dma_start3A_30] : memref<2000x128xf32, #tpu.memory_space<vmem_shared>> -> memref<2000x128xf32, #tpu.memory_space<vmem_shared>>
    tpu.enqueue_indirect_dma source(%dma_start3A_31 : memref<2000x128xf32, #tpu.memory_space<vmem_shared>>) target(%dma_start3A_25 : memref<128x128xf32, #tpu.memory_space<vmem>>) offsets(%dma_start3A_28 : memref<128xi32, #tpu.memory_space<vmem>>) semaphore(%arg8 : memref<!tpu.dma_semaphore, #tpu.memory_space<semaphore_mem>>)
    %dma_start3A_32 = arith.constant 2 : i32
    %dma_start3A_33 = arith.constant 256 : i32
    %dma_start3A_34 = arith.constant 0 : i32
    %dma_start3A_35 = tpu.memref_slice %arg6[%dma_start3A_33, %dma_start3A_34] : memref<512x128xf32, #tpu.memory_space<vmem>> -> memref<128x128xf32, #tpu.memory_space<vmem>>
    %dma_start3A_36 = arith.constant 0 : i32
    %dma_start3A_37 = tpu.memref_slice %arg5[%dma_start3A_32, %dma_start3A_36] : memref<4x128xi32, #tpu.memory_space<vmem>> -> memref<1x128xi32, #tpu.memory_space<vmem>>
    %dma_start3A_38 = tpu.memref_squeeze %dma_start3A_37 : memref<1x128xi32, #tpu.memory_space<vmem>> -> memref<128xi32, #tpu.memory_space<vmem>>
    %dma_start3A_39 = arith.constant 0 : i32
    %dma_start3A_40 = arith.constant 0 : i32
    %dma_start3A_41 = tpu.memref_slice %arg7[%dma_start3A_39, %dma_start3A_40] : memref<2000x128xf32, #tpu.memory_space<vmem_shared>> -> memref<2000x128xf32, #tpu.memory_space<vmem_shared>>
    tpu.enqueue_indirect_dma source(%dma_start3A_41 : memref<2000x128xf32, #tpu.memory_space<vmem_shared>>) target(%dma_start3A_35 : memref<128x128xf32, #tpu.memory_space<vmem>>) offsets(%dma_start3A_38 : memref<128xi32, #tpu.memory_space<vmem>>) semaphore(%arg8 : memref<!tpu.dma_semaphore, #tpu.memory_space<semaphore_mem>>)
    %dma_start3A_42 = arith.constant 3 : i32
    %dma_start3A_43 = arith.constant 384 : i32
    %dma_start3A_44 = arith.constant 0 : i32
    %dma_start3A_45 = tpu.memref_slice %arg6[%dma_start3A_43, %dma_start3A_44] : memref<512x128xf32, #tpu.memory_space<vmem>> -> memref<128x128xf32, #tpu.memory_space<vmem>>
    %dma_start3A_46 = arith.constant 0 : i32
    %dma_start3A_47 = tpu.memref_slice %arg5[%dma_start3A_42, %dma_start3A_46] : memref<4x128xi32, #tpu.memory_space<vmem>> -> memref<1x128xi32, #tpu.memory_space<vmem>>
    %dma_start3A_48 = tpu.memref_squeeze %dma_start3A_47 : memref<1x128xi32, #tpu.memory_space<vmem>> -> memref<128xi32, #tpu.memory_space<vmem>>
    %dma_start3A_49 = arith.constant 0 : i32
    %dma_start3A_50 = arith.constant 0 : i32
    %dma_start3A_51 = tpu.memref_slice %arg7[%dma_start3A_49, %dma_start3A_50] : memref<2000x128xf32, #tpu.memory_space<vmem_shared>> -> memref<2000x128xf32, #tpu.memory_space<vmem_shared>>
    tpu.enqueue_indirect_dma source(%dma_start3A_51 : memref<2000x128xf32, #tpu.memory_space<vmem_shared>>) target(%dma_start3A_45 : memref<128x128xf32, #tpu.memory_space<vmem>>) offsets(%dma_start3A_48 : memref<128xi32, #tpu.memory_space<vmem>>) semaphore(%arg8 : memref<!tpu.dma_semaphore, #tpu.memory_space<semaphore_mem>>)
    %dma_wait3A_52 = arith.constant 0 : i32
    %dma_wait3A_53 = arith.constant 0 : i32
    %dma_wait3A_54 = arith.constant 0 : i32
    %dma_wait3A_55 = tpu.memref_slice %arg6[%dma_wait3A_53, %dma_wait3A_54] : memref<512x128xf32, #tpu.memory_space<vmem>> -> memref<128x128xf32, #tpu.memory_space<vmem>>
    %dma_wait3A_56 = arith.constant 0 : i32
    %dma_wait3A_57 = tpu.memref_slice %arg5[%dma_wait3A_52, %dma_wait3A_56] : memref<4x128xi32, #tpu.memory_space<vmem>> -> memref<1x128xi32, #tpu.memory_space<vmem>>
    %dma_wait3A_58 = tpu.memref_squeeze %dma_wait3A_57 : memref<1x128xi32, #tpu.memory_space<vmem>> -> memref<128xi32, #tpu.memory_space<vmem>>
    %dma_wait3A_59 = arith.constant 0 : i32
    %dma_wait3A_60 = arith.constant 0 : i32
    %dma_wait3A_61 = tpu.memref_slice %arg3[%dma_wait3A_59, %dma_wait3A_60] : memref<2000x128xf32, #tpu.memory_space<hbm>> -> memref<2000x128xf32, #tpu.memory_space<hbm>>
    tpu.wait_indirect_dma semaphore(%arg8 : memref<!tpu.dma_semaphore, #tpu.memory_space<semaphore_mem>>) src(%dma_wait3A_61 : memref<2000x128xf32, #tpu.memory_space<hbm>>) dst(%dma_wait3A_55 : memref<128x128xf32, #tpu.memory_space<vmem>>)
    %add3A_62 = arith.constant 0 : i32
    %add3A_63 = arith.addi %mul3A_2, %add3A_62 : i32
    %dma_start3A_64 = arith.constant 0 : i32
    %dma_start3A_65 = arith.constant 0 : i32
    %dma_start3A_66 = tpu.memref_slice %arg6[%dma_start3A_64, %dma_start3A_65] : memref<512x128xf32, #tpu.memory_space<vmem>> -> memref<128x128xf32, #tpu.memory_space<vmem>>
    %dma_start3A_67 = arith.constant 0 : i32
    %dma_start3A_68 = tpu.memref_slice %arg4[%add3A_63, %dma_start3A_67] : memref<16384x128xf32, #tpu.memory_space<hbm>> -> memref<128x128xf32, #tpu.memory_space<hbm>>
    %dma_start3A_69 = arith.constant 0 : i32
    %dma_start3A_70 = tpu.memref_slice %arg4[%add3A_63, %dma_start3A_69] : memref<16384x128xf32, #tpu.memory_space<hbm>> -> memref<128x128xf32, #tpu.memory_space<hbm>>
    %dma_start3A_71 = arith.constant 0 : i32
    %dma_start3A_72 = arith.constant 0 : i32
    %dma_start3A_73 = tpu.memref_slice %arg6[%dma_start3A_71, %dma_start3A_72] : memref<512x128xf32, #tpu.memory_space<vmem>> -> memref<128x128xf32, #tpu.memory_space<vmem>>
    tpu.enqueue_dma source(%dma_start3A_73 : memref<128x128xf32, #tpu.memory_space<vmem>>) target(%dma_start3A_70 : memref<128x128xf32, #tpu.memory_space<hbm>>) target_semaphore(%arg9 : memref<!tpu.dma_semaphore, #tpu.memory_space<semaphore_mem>>)
    %dma_wait3A_74 = arith.constant 1 : i32
    %dma_wait3A_75 = arith.constant 128 : i32
    %dma_wait3A_76 = arith.constant 0 : i32
    %dma_wait3A_77 = tpu.memref_slice %arg6[%dma_wait3A_75, %dma_wait3A_76] : memref<512x128xf32, #tpu.memory_space<vmem>> -> memref<128x128xf32, #tpu.memory_space<vmem>>
    %dma_wait3A_78 = arith.constant 0 : i32
    %dma_wait3A_79 = tpu.memref_slice %arg5[%dma_wait3A_74, %dma_wait3A_78] : memref<4x128xi32, #tpu.memory_space<vmem>> -> memref<1x128xi32, #tpu.memory_space<vmem>>
    %dma_wait3A_80 = tpu.memref_squeeze %dma_wait3A_79 : memref<1x128xi32, #tpu.memory_space<vmem>> -> memref<128xi32, #tpu.memory_space<vmem>>
    %dma_wait3A_81 = arith.constant 0 : i32
    %dma_wait3A_82 = arith.constant 0 : i32
    %dma_wait3A_83 = tpu.memref_slice %arg7[%dma_wait3A_81, %dma_wait3A_82] : memref<2000x128xf32, #tpu.memory_space<vmem_shared>> -> memref<2000x128xf32, #tpu.memory_space<vmem_shared>>
    tpu.wait_indirect_dma semaphore(%arg8 : memref<!tpu.dma_semaphore, #tpu.memory_space<semaphore_mem>>) src(%dma_wait3A_83 : memref<2000x128xf32, #tpu.memory_space<vmem_shared>>) dst(%dma_wait3A_77 : memref<128x128xf32, #tpu.memory_space<vmem>>)
    %add3A_84 = arith.constant 128 : i32
    %add3A_85 = arith.addi %mul3A_2, %add3A_84 : i32
    %dma_start3A_86 = arith.constant 128 : i32
    %dma_start3A_87 = arith.constant 0 : i32
    %dma_start3A_88 = tpu.memref_slice %arg6[%dma_start3A_86, %dma_start3A_87] : memref<512x128xf32, #tpu.memory_space<vmem>> -> memref<128x128xf32, #tpu.memory_space<vmem>>
    %dma_start3A_89 = arith.constant 0 : i32
    %dma_start3A_90 = tpu.memref_slice %arg4[%add3A_85, %dma_start3A_89] : memref<16384x128xf32, #tpu.memory_space<hbm>> -> memref<128x128xf32, #tpu.memory_space<hbm>>
    %dma_start3A_91 = arith.constant 0 : i32
    %dma_start3A_92 = tpu.memref_slice %arg4[%add3A_85, %dma_start3A_91] : memref<16384x128xf32, #tpu.memory_space<hbm>> -> memref<128x128xf32, #tpu.memory_space<hbm>>
    %dma_start3A_93 = arith.constant 128 : i32
    %dma_start3A_94 = arith.constant 0 : i32
    %dma_start3A_95 = tpu.memref_slice %arg6[%dma_start3A_93, %dma_start3A_94] : memref<512x128xf32, #tpu.memory_space<vmem>> -> memref<128x128xf32, #tpu.memory_space<vmem>>
    tpu.enqueue_dma source(%dma_start3A_95 : memref<128x128xf32, #tpu.memory_space<vmem>>) target(%dma_start3A_92 : memref<128x128xf32, #tpu.memory_space<hbm>>) target_semaphore(%arg9 : memref<!tpu.dma_semaphore, #tpu.memory_space<semaphore_mem>>)
    %dma_wait3A_96 = arith.constant 2 : i32
    %dma_wait3A_97 = arith.constant 256 : i32
    %dma_wait3A_98 = arith.constant 0 : i32
    %dma_wait3A_99 = tpu.memref_slice %arg6[%dma_wait3A_97, %dma_wait3A_98] : memref<512x128xf32, #tpu.memory_space<vmem>> -> memref<128x128xf32, #tpu.memory_space<vmem>>
    %dma_wait3A_100 = arith.constant 0 : i32
    %dma_wait3A_101 = tpu.memref_slice %arg5[%dma_wait3A_96, %dma_wait3A_100] : memref<4x128xi32, #tpu.memory_space<vmem>> -> memref<1x128xi32, #tpu.memory_space<vmem>>
    %dma_wait3A_102 = tpu.memref_squeeze %dma_wait3A_101 : memref<1x128xi32, #tpu.memory_space<vmem>> -> memref<128xi32, #tpu.memory_space<vmem>>
    %dma_wait3A_103 = arith.constant 0 : i32
    %dma_wait3A_104 = arith.constant 0 : i32
    %dma_wait3A_105 = tpu.memref_slice %arg7[%dma_wait3A_103, %dma_wait3A_104] : memref<2000x128xf32, #tpu.memory_space<vmem_shared>> -> memref<2000x128xf32, #tpu.memory_space<vmem_shared>>
    tpu.wait_indirect_dma semaphore(%arg8 : memref<!tpu.dma_semaphore, #tpu.memory_space<semaphore_mem>>) src(%dma_wait3A_105 : memref<2000x128xf32, #tpu.memory_space<vmem_shared>>) dst(%dma_wait3A_99 : memref<128x128xf32, #tpu.memory_space<vmem>>)
    %add3A_106 = arith.constant 256 : i32
    %add3A_107 = arith.addi %mul3A_2, %add3A_106 : i32
    %dma_start3A_108 = arith.constant 256 : i32
    %dma_start3A_109 = arith.constant 0 : i32
    %dma_start3A_110 = tpu.memref_slice %arg6[%dma_start3A_108, %dma_start3A_109] : memref<512x128xf32, #tpu.memory_space<vmem>> -> memref<128x128xf32, #tpu.memory_space<vmem>>
    %dma_start3A_111 = arith.constant 0 : i32
    %dma_start3A_112 = tpu.memref_slice %arg4[%add3A_107, %dma_start3A_111] : memref<16384x128xf32, #tpu.memory_space<hbm>> -> memref<128x128xf32, #tpu.memory_space<hbm>>
    %dma_start3A_113 = arith.constant 0 : i32
    %dma_start3A_114 = tpu.memref_slice %arg4[%add3A_107, %dma_start3A_113] : memref<16384x128xf32, #tpu.memory_space<hbm>> -> memref<128x128xf32, #tpu.memory_space<hbm>>
    %dma_start3A_115 = arith.constant 256 : i32
    %dma_start3A_116 = arith.constant 0 : i32
    %dma_start3A_117 = tpu.memref_slice %arg6[%dma_start3A_115, %dma_start3A_116] : memref<512x128xf32, #tpu.memory_space<vmem>> -> memref<128x128xf32, #tpu.memory_space<vmem>>
    tpu.enqueue_dma source(%dma_start3A_117 : memref<128x128xf32, #tpu.memory_space<vmem>>) target(%dma_start3A_114 : memref<128x128xf32, #tpu.memory_space<hbm>>) target_semaphore(%arg9 : memref<!tpu.dma_semaphore, #tpu.memory_space<semaphore_mem>>)
    %dma_wait3A_118 = arith.constant 3 : i32
    %dma_wait3A_119 = arith.constant 384 : i32
    %dma_wait3A_120 = arith.constant 0 : i32
    %dma_wait3A_121 = tpu.memref_slice %arg6[%dma_wait3A_119, %dma_wait3A_120] : memref<512x128xf32, #tpu.memory_space<vmem>> -> memref<128x128xf32, #tpu.memory_space<vmem>>
    %dma_wait3A_122 = arith.constant 0 : i32
    %dma_wait3A_123 = tpu.memref_slice %arg5[%dma_wait3A_118, %dma_wait3A_122] : memref<4x128xi32, #tpu.memory_space<vmem>> -> memref<1x128xi32, #tpu.memory_space<vmem>>
    %dma_wait3A_124 = tpu.memref_squeeze %dma_wait3A_123 : memref<1x128xi32, #tpu.memory_space<vmem>> -> memref<128xi32, #tpu.memory_space<vmem>>
    %dma_wait3A_125 = arith.constant 0 : i32
    %dma_wait3A_126 = arith.constant 0 : i32
    %dma_wait3A_127 = tpu.memref_slice %arg7[%dma_wait3A_125, %dma_wait3A_126] : memref<2000x128xf32, #tpu.memory_space<vmem_shared>> -> memref<2000x128xf32, #tpu.memory_space<vmem_shared>>
    tpu.wait_indirect_dma semaphore(%arg8 : memref<!tpu.dma_semaphore, #tpu.memory_space<semaphore_mem>>) src(%dma_wait3A_127 : memref<2000x128xf32, #tpu.memory_space<vmem_shared>>) dst(%dma_wait3A_121 : memref<128x128xf32, #tpu.memory_space<vmem>>)
    %add3A_128 = arith.constant 384 : i32
    %add3A_129 = arith.addi %mul3A_2, %add3A_128 : i32
    %dma_start3A_130 = arith.constant 384 : i32
    %dma_start3A_131 = arith.constant 0 : i32
    %dma_start3A_132 = tpu.memref_slice %arg6[%dma_start3A_130, %dma_start3A_131] : memref<512x128xf32, #tpu.memory_space<vmem>> -> memref<128x128xf32, #tpu.memory_space<vmem>>
    %dma_start3A_133 = arith.constant 0 : i32
    %dma_start3A_134 = tpu.memref_slice %arg4[%add3A_129, %dma_start3A_133] : memref<16384x128xf32, #tpu.memory_space<hbm>> -> memref<128x128xf32, #tpu.memory_space<hbm>>
    %dma_start3A_135 = arith.constant 0 : i32
    %dma_start3A_136 = tpu.memref_slice %arg4[%add3A_129, %dma_start3A_135] : memref<16384x128xf32, #tpu.memory_space<hbm>> -> memref<128x128xf32, #tpu.memory_space<hbm>>
    %dma_start3A_137 = arith.constant 384 : i32
    %dma_start3A_138 = arith.constant 0 : i32
    %dma_start3A_139 = tpu.memref_slice %arg6[%dma_start3A_137, %dma_start3A_138] : memref<512x128xf32, #tpu.memory_space<vmem>> -> memref<128x128xf32, #tpu.memory_space<vmem>>
    tpu.enqueue_dma source(%dma_start3A_139 : memref<128x128xf32, #tpu.memory_space<vmem>>) target(%dma_start3A_136 : memref<128x128xf32, #tpu.memory_space<hbm>>) target_semaphore(%arg9 : memref<!tpu.dma_semaphore, #tpu.memory_space<semaphore_mem>>)
    %dma_wait3A_140 = arith.constant 0 : i32
    %dma_wait3A_141 = arith.constant 0 : i32
    %dma_wait3A_142 = tpu.memref_slice %arg6[%dma_wait3A_140, %dma_wait3A_141] : memref<512x128xf32, #tpu.memory_space<vmem>> -> memref<128x128xf32, #tpu.memory_space<vmem>>
    %dma_wait3A_143 = arith.constant 0 : i32
    %dma_wait3A_144 = tpu.memref_slice %arg4[%add3A_63, %dma_wait3A_143] : memref<16384x128xf32, #tpu.memory_space<hbm>> -> memref<128x128xf32, #tpu.memory_space<hbm>>
    %dma_wait3A_145 = arith.constant 0 : i32
    %dma_wait3A_146 = tpu.memref_slice %arg4[%add3A_63, %dma_wait3A_145] : memref<16384x128xf32, #tpu.memory_space<hbm>> -> memref<128x128xf32, #tpu.memory_space<hbm>>
    %dma_wait3A_147 = arith.constant 0 : i32
    %dma_wait3A_148 = arith.constant 0 : i32
    %dma_wait3A_149 = tpu.memref_slice %arg6[%dma_wait3A_147, %dma_wait3A_148] : memref<512x128xf32, #tpu.memory_space<vmem>> -> memref<128x128xf32, #tpu.memory_space<vmem>>
    tpu.wait_dma2 semaphore(%arg9 : memref<!tpu.dma_semaphore, #tpu.memory_space<semaphore_mem>>) src(%dma_wait3A_149 : memref<128x128xf32, #tpu.memory_space<vmem>>) dst(%dma_wait3A_146 : memref<128x128xf32, #tpu.memory_space<hbm>>)
    %dma_wait3A_150 = arith.constant 128 : i32
    %dma_wait3A_151 = arith.constant 0 : i32
    %dma_wait3A_152 = tpu.memref_slice %arg6[%dma_wait3A_150, %dma_wait3A_151] : memref<512x128xf32, #tpu.memory_space<vmem>> -> memref<128x128xf32, #tpu.memory_space<vmem>>
    %dma_wait3A_153 = arith.constant 0 : i32
    %dma_wait3A_154 = tpu.memref_slice %arg4[%add3A_85, %dma_wait3A_153] : memref<16384x128xf32, #tpu.memory_space<hbm>> -> memref<128x128xf32, #tpu.memory_space<hbm>>
    %dma_wait3A_155 = arith.constant 0 : i32
    %dma_wait3A_156 = tpu.memref_slice %arg4[%add3A_85, %dma_wait3A_155] : memref<16384x128xf32, #tpu.memory_space<hbm>> -> memref<128x128xf32, #tpu.memory_space<hbm>>
    %dma_wait3A_157 = arith.constant 128 : i32
    %dma_wait3A_158 = arith.constant 0 : i32
    %dma_wait3A_159 = tpu.memref_slice %arg6[%dma_wait3A_157, %dma_wait3A_158] : memref<512x128xf32, #tpu.memory_space<vmem>> -> memref<128x128xf32, #tpu.memory_space<vmem>>
    tpu.wait_dma2 semaphore(%arg9 : memref<!tpu.dma_semaphore, #tpu.memory_space<semaphore_mem>>) src(%dma_wait3A_159 : memref<128x128xf32, #tpu.memory_space<vmem>>) dst(%dma_wait3A_156 : memref<128x128xf32, #tpu.memory_space<hbm>>)
    %dma_wait3A_160 = arith.constant 256 : i32
    %dma_wait3A_161 = arith.constant 0 : i32
    %dma_wait3A_162 = tpu.memref_slice %arg6[%dma_wait3A_160, %dma_wait3A_161] : memref<512x128xf32, #tpu.memory_space<vmem>> -> memref<128x128xf32, #tpu.memory_space<vmem>>
    %dma_wait3A_163 = arith.constant 0 : i32
    %dma_wait3A_164 = tpu.memref_slice %arg4[%add3A_107, %dma_wait3A_163] : memref<16384x128xf32, #tpu.memory_space<hbm>> -> memref<128x128xf32, #tpu.memory_space<hbm>>
    %dma_wait3A_165 = arith.constant 0 : i32
    %dma_wait3A_166 = tpu.memref_slice %arg4[%add3A_107, %dma_wait3A_165] : memref<16384x128xf32, #tpu.memory_space<hbm>> -> memref<128x128xf32, #tpu.memory_space<hbm>>
    %dma_wait3A_167 = arith.constant 256 : i32
    %dma_wait3A_168 = arith.constant 0 : i32
    %dma_wait3A_169 = tpu.memref_slice %arg6[%dma_wait3A_167, %dma_wait3A_168] : memref<512x128xf32, #tpu.memory_space<vmem>> -> memref<128x128xf32, #tpu.memory_space<vmem>>
    tpu.wait_dma2 semaphore(%arg9 : memref<!tpu.dma_semaphore, #tpu.memory_space<semaphore_mem>>) src(%dma_wait3A_169 : memref<128x128xf32, #tpu.memory_space<vmem>>) dst(%dma_wait3A_166 : memref<128x128xf32, #tpu.memory_space<hbm>>)
    %dma_wait3A_170 = arith.constant 384 : i32
    %dma_wait3A_171 = arith.constant 0 : i32
    %dma_wait3A_172 = tpu.memref_slice %arg6[%dma_wait3A_170, %dma_wait3A_171] : memref<512x128xf32, #tpu.memory_space<vmem>> -> memref<128x128xf32, #tpu.memory_space<vmem>>
    %dma_wait3A_173 = arith.constant 0 : i32
    %dma_wait3A_174 = tpu.memref_slice %arg4[%add3A_129, %dma_wait3A_173] : memref<16384x128xf32, #tpu.memory_space<hbm>> -> memref<128x128xf32, #tpu.memory_space<hbm>>
    %dma_wait3A_175 = arith.constant 0 : i32
    %dma_wait3A_176 = tpu.memref_slice %arg4[%add3A_129, %dma_wait3A_175] : memref<16384x128xf32, #tpu.memory_space<hbm>> -> memref<128x128xf32, #tpu.memory_space<hbm>>
    %dma_wait3A_177 = arith.constant 384 : i32
    %dma_wait3A_178 = arith.constant 0 : i32
    %dma_wait3A_179 = tpu.memref_slice %arg6[%dma_wait3A_177, %dma_wait3A_178] : memref<512x128xf32, #tpu.memory_space<vmem>> -> memref<128x128xf32, #tpu.memory_space<vmem>>
    tpu.wait_dma2 semaphore(%arg9 : memref<!tpu.dma_semaphore, #tpu.memory_space<semaphore_mem>>) src(%dma_wait3A_179 : memref<128x128xf32, #tpu.memory_space<vmem>>) dst(%dma_wait3A_176 : memref<128x128xf32, #tpu.memory_space<hbm>>)
    return
  }
}

</mosaic_0001>

<sc_bundles>
// kernel: kernel.3.cloned.1.call-start
scs
__scs_entry_jumppad:
0x0: {  	(pc) =	sbr.rel $0x88, $3  }
0x1: {  	(tag) =	ssettag $0x0;
	lr =	simm.s32 $0x1  }
0x2: {  	[smem:$0x3F9F] =	sst lr;
	_ =	strace $0xD0000000  }
0x3: {  	_ = 	snop  }
0x4: {  	_ = 	snop  }
0x5: {  	_ = 	snop  }
0x6: {  	_ = 	snop  }
0x7: {  	_ = 	snop  }
__scs_overlays_trampoline_lowered:
0x8: {  	[smem:$0x3FAE] =	sst s0  }
0x9: {  	[smem:$0x3FAF] =	sst s1  }
0xa: {  	[smem:$0x3FB0] =	sst s2  }
0xb: {  	[smem:$0x3FB1] =	sst s3  }
0xc: {  	[smem:$0x3FB2] =	sst s4  }
0xd: {  	[smem:$0x3FB3] =	sst s5  }
0xe: {  	[smem:$0x3FB4] =	sst s6  }
0xf: {  	[smem:$0x3FB5] =	sst s7  }
0x10: {  	[smem:$0x3FB6] =	sst s8  }
0x11: {  	[smem:$0x3FB7] =	sst s9;
	s0 =	simm.s32 @!p0 $0x0  }
0x12: {  	s1 =	sld [smem:$0x3F9D];
	s0 =	simm.s32 @p0 $0x1  }
0x13: {  	[smem:$0x3FB8] =	sst s0;
	s0 =	simm.s32 @!p1 $0x0  }
0x14: {  	s2 =	sld [smem:$0x3F9C];
	s0 =	simm.s32 @p1 $0x1  }
0x15: {  	[smem:$0x3FB9] =	sst s0;
	s0 =	simm.s32 @!p2 $0x0  }
0x16: {  	s3 =	sld [smem:$0x3FDB];
	s0 =	simm.s32 @p2 $0x1  }
0x17: {  	s4 =	simm.s32 $0x1BF5;
	[smem:$0x3FBB] =	sst s0  }
0x18: {  	s0 =	sld [smem:$0x3F9E];
	_ =	swait.ge [sflag:s4], $0x0  }
0x19: {  	s7 =	sld [smem:$0x3F9F]  }
0x1a: {  	s8 =	sadd.s32 $0xFFFFE003, lr  }
0x1b: {  	s9 =	sadd.s32 $0xFFFFFEF7, lr;
	s5 =	simm.s32 $0xFFFFFFFF;
	p2 =	slt.u32 s8, $0xFFFFF086  }
0x1c: {  	p1 =	slt.u32 s9, $0xF7A;
	s5 =	simm.s32 @!p2 $0x0  }
0x1d: {  	s5 =	simm.s32 @p1 $0x1;
	p0 =	seq.s32 s7, s2  }
0x1e: {  	s7 =	smul.u32 @!p0 $0xF7A, s2;
	p2 =	seq.s32 @!p0 s5, $0x0  }
0x1f: {  	s9 =	smul.u32 $0xF7A, s1;
	s8 =	simm.s32 @!p0 $0x1BF5;
	p2 =	por !p2, p0  }
0x20: {  	[sflag:s8] =	ssyncset.s32 @!p0 $0xFFFFF086;
	s6 =	sadd.s32 @!p0 s3, s7;
	s7 =	simm.s32 @!p0 $0x108  }
0x21: {  	s3 =	sadd.s32 s3, s9;
	s6 =	sadd.s32 @!p0 $0x88, s6;
	s7 =	simm.s32 @p2 $0x1082  }
0x22: {  	[simem:s7], [sflag:s8] =	dma.local @!p0 [hbm:s6], $0xF7A  }
0x23: {  	s9 =	sor.u32 $0xD0000000, s2;
	s6 =	simm.s32 $0x108;
	_ =	swait.ge @!p0 [sflag:s8], $0x0  }
0x24: {  	s3 =	sadd.s32 $0x88, s3;
	s6 =	simm.s32 @!p1 $0x1082;
	[sflag:s4] =	ssyncset.s32 $0xFFFFF086  }
0x25: {  	[simem:s6], [sflag:s4] =	dma.local [hbm:s3], $0xF7A  }
0x26: {  	[smem:$0x3F9F] =	sst s1;
	(tag) =	ssettag s2;
	_ =	strace s9  }
0x27: {  	s1 =	sld [smem:$0x3FAF]  }
0x28: {  	s2 =	sld [smem:$0x3FB0]  }
0x29: {  	s4 =	sld [smem:$0x3FB2]  }
0x2a: {  	p0 =	seq.s32 s5, $0x0;
	s5 =	sld [smem:$0x3FB3]  }
0x2b: {  	s6 =	sld [smem:$0x3FB4]  }
0x2c: {  	s7 =	sld [smem:$0x3FB5]  }
0x2d: {  	s3 =	simm.s32 $0x108;
	s8 =	sld [smem:$0x3FB6]  }
0x2e: {  	s3 =	simm.s32 @!p0 $0x1082;
	s9 =	sld [smem:$0x3FB7]  }
0x2f: {  	lr =	sadd.s32 s0, s3;
	s0 =	sld [smem:$0x3FAE]  }
0x30: {  	s3 =	sld [smem:$0x3FB1]  }
0x31: {  	[smem:$0x3FBA] =	sst s10  }
0x32: {  	s10 =	sld [smem:$0x3FB8];
	_ =	sdelay $0x3  }
0x33: {  	p0 =	seq.s32 s10, $0x1;
	s10 =	sld [smem:$0x3FBA];
	_ =	sdelay $0x3  }
0x34: {  	[smem:$0x3FBA] =	sst s10  }
0x35: {  	s10 =	sld [smem:$0x3FB9];
	_ =	sdelay $0x3  }
0x36: {  	p1 =	seq.s32 s10, $0x1;
	s10 =	sld [smem:$0x3FBA];
	_ =	sdelay $0x3  }
0x37: {  	[smem:$0x3FBA] =	sst s10  }
0x38: {  	s10 =	sld [smem:$0x3FBB]  }
0x39: {  	_ = 	snop;
	(pc) =	sbr.ind lr, $3  }
0x3a: {  	_ = 	snop  }
0x3b: {  	_ = 	snop  }
0x3c: {  	p2 =	seq.s32 s10, $0x1;
	s10 =	sld [smem:$0x3FBA]  }
0x3d: {  	_ =	shalt  }
0x3e: {  	_ =	shalt  }
0x3f: {  	_ =	shalt  }
0x40: {  	_ =	shalt  }
0x41: {  	_ =	shalt  }
0x42: {  	_ =	shalt  }
0x43: {  	_ =	shalt  }
0x44: {  	_ =	shalt  }
0x45: {  	_ =	shalt  }
0x46: {  	_ =	shalt  }
0x47: {  	_ =	shalt  }
0x48: {  	_ =	shalt  }
0x49: {  	_ =	shalt  }
0x4a: {  	_ =	shalt  }
0x4b: {  	_ =	shalt  }
0x4c: {  	_ =	shalt  }
0x4d: {  	_ =	shalt  }
0x4e: {  	_ =	shalt  }
0x4f: {  	_ =	shalt  }
0x50: {  	_ =	shalt  }
0x51: {  	_ =	shalt  }
0x52: {  	_ =	shalt  }
0x53: {  	_ =	shalt  }
0x54: {  	_ =	shalt  }
0x55: {  	_ =	shalt  }
0x56: {  	_ =	shalt  }
0x57: {  	_ =	shalt  }
0x58: {  	_ =	shalt  }
0x59: {  	_ =	shalt  }
0x5a: {  	_ =	shalt  }
0x5b: {  	_ =	shalt  }
0x5c: {  	_ =	shalt  }
0x5d: {  	_ =	shalt  }
0x5e: {  	_ =	shalt  }
0x5f: {  	_ =	shalt  }
0x60: {  	_ =	shalt  }
0x61: {  	_ =	shalt  }
0x62: {  	_ =	shalt  }
0x63: {  	_ =	shalt  }
0x64: {  	_ =	shalt  }
0x65: {  	_ =	shalt  }
0x66: {  	_ =	shalt  }
0x67: {  	_ =	shalt  }
0x68: {  	_ =	shalt  }
0x69: {  	_ =	shalt  }
0x6a: {  	_ =	shalt  }
0x6b: {  	_ =	shalt  }
0x6c: {  	_ =	shalt  }
0x6d: {  	_ =	shalt  }
0x6e: {  	_ =	shalt  }
0x6f: {  	_ =	shalt  }
0x70: {  	_ =	shalt  }
0x71: {  	_ =	shalt  }
0x72: {  	_ =	shalt  }
0x73: {  	_ =	shalt  }
0x74: {  	_ =	shalt  }
0x75: {  	_ =	shalt  }
0x76: {  	_ =	shalt  }
0x77: {  	_ =	shalt  }
0x78: {  	_ =	shalt  }
0x79: {  	_ =	shalt  }
0x7a: {  	_ =	shalt  }
0x7b: {  	_ =	shalt  }
0x7c: {  	_ =	shalt  }
0x7d: {  	_ =	shalt  }
0x7e: {  	_ =	shalt  }
0x7f: {  	_ =	shalt  }
0x80: {  	_ =	shalt  }
0x81: {  	_ =	shalt  }
0x82: {  	_ =	shalt  }
0x83: {  	_ =	shalt  }
0x84: {  	_ =	shalt  }
0x85: {  	_ =	shalt  }
0x86: {  	_ =	shalt  }
0x87: {  	_ =	shalt  }
.Lfunc_end0:
.L_simem_size_0:
called_computation_lowered:
.L_overlay_start_0:
0x88: {  	s2 =	sld [smem:$0x3FD9]  }
0x89: {  	s3 =	sld [smem:$0x3FFE];
	_ =	sdelay $0x1  }
0x8a: {  	s1 =	srdreg.scid  }
0x8b: {  	s0 =	sand.u32 $0x1, s1  }
0x8c: {  	s18 =	sshll.u32 s0, $0xA;
	s2 =	sadd.s32 s3, s2  }
0x8d: {  	s2 =	sadd.s32 s2, s18  }
0x8e: {  	[smem:$0x3FC6] =	sst s2  }
0x8f: {  	_ = 	snop  }
0x90: {  	s2 =	sld [smem:$0x3FC9]  }
0x91: {  	s19 =	sld [smem:$0x3FC8]  }
0x92: {  	s4 =	sld [smem:$0x3FD0];
	(tm) =	ssettm $0x1  }
0x93: {  	s5 =	sld [smem:$0x3FFB];
	_ =	sdelay $0x3  }
0x94: {  	_ =	strace s5  }
0x95: {  	s5 =	sld [smem:$0x3FFC];
	_ =	sdelay $0x3  }
0x96: {  	_ =	strace s5  }
0x97: {  	s5 =	sld [smem:$0x3FFD];
	_ =	sdelay $0x3  }
0x98: {  	_ =	strace s5  }
0x99: {  	_ =	strace $0x8FFFFFFF  }
0x9a: {  	s20 =	sld [smem:$0x3FDB];
	_ =	sdelay $0x1  }
0x9b: {  	s6 =	simm.s32 $_scs_section_size  }
0x9c: {  	s7 =	simm.s32 $_size__tile_overlayer_lowered;
	s8 =	simm.s32 $_tile_overlayer_lowered  }
0x9d: {  	s23 =	simm.s32 $0x1BFF;
	s22 =	sshll.u32 s8, $0x1;
	s5 =	sadd.s32 s6, s20  }
0x9e: {  	s9 =	simm.s32 $0x0;
	s21 =	sshll.u32 s7, $0x1;
	s7 =	sadd.s32 s22, s5  }
0x9f: {  	[timem:s9], [sflag:s23] =	dma.local [hbm:s7], s21  }
0xa0: {  	_ =	swait.ge [sflag:s23], s21  }
0xa1: {  	s6 =	ssub.s32 $0x0, s21;
	[sflag:s23] =	ssyncset.done $0x0  }
0xa2: {  	[sflag:s23] =	ssyncadd.s32 s6;
	_ =	sdelay $0x1  }
0xa3: {  	s24 =	simm.s32 $0x1B8B  }
0xa4: {  	_ =	swait.ge [sflag:s24], $0x1  }
0xa5: {  	[sflag:s24] =	ssyncset.done $0x0  }
0xa6: {  	s25 =	simm.s32 $0x1B8E;
	[sflag:s24] =	ssyncadd.s32 $0xFFFFFFFF  }
0xa7: {  	s26 =	simm.s32 $execute0_lowered;
	[smem:$0x3FD2] =	sst s25  }
0xa8: {  	s6 =	sshll.u32 s26, $0x1;
	_ =	strace $0x80000046;
	[dreg:$0x1] =	wrdreg $0xFFFFFFFF  }
0xa9: {  	s28 =	simm.s32 $_size_execute0_lowered;
	s5 =	sadd.s32 s5, s6;
	[dreg:$0x0] =	wrdreg $0x0  }
0xaa: {  	s6 =	sshll.u32 s28, $0x1;
	[dreg:$0x2] =	wrdreg s5  }
0xab: {  	[dreg:$0x3] =	wrdreg s6  }
0xac: {  	[dreg:$0x4] =	wrdreg $0xC0  }
0xad: {  	_ =	task [dreg:s9], $0x5FFFF  }
0xae: {  	[dreg:$0x1] =	wrdreg $0xFFFFFFFF  }
0xaf: {  	[dreg:$0x0] =	wrdreg $0x60  }
0xb0: {  	[dreg:$0x2] =	wrdreg s2  }
0xb1: {  	[dreg:$0x3] =	wrdreg s19  }
0xb2: {  	[dreg:$0x4] =	wrdreg s4  }
0xb3: {  	[dreg:$0x5] =	wrdreg $0x102000  }
0xb4: {  	[dreg:$0x6] =	wrdreg $0x9  }
0xb5: {  	_ =	task.clear_ibuf [dreg:s9], $0x7FFFF;
	_ =	strace $0x90000046  }
0xb6: {  	s29 =	simm.s32 $0x9;
	_ =	strace $0x80000048  }
0xb7: {  	_ =	swait.ge [sflag:s29], $0x1  }
0xb8: {  	[sflag:s29] =	ssyncadd.s32 $0xFFFFFFFF  }
0xb9: {  	_ =	strace $0x90000048  }
0xba: {  	_ =	sfence  }
0xbb: {  	s30 =	sld [smem:$0x0];
	_ =	sdelay $0x2  }
0xbc: {  	s31 =	sshll.u32 s1, $0xD;
	s1 =	sshrl.u32 s1, $0x2  }
0xbd: {  	s3 =	sand.u32 $0x4000, s31;
	s1 =	sadd.s32 s1, s30  }
0xbe: {  	s0 =	sor.u32 s3, s0;
	s1 =	sshll.u32 s1, $0x11  }
0xbf: {  	s0 =	sor.u32 s1, s0  }
0xc0: {  	s0 =	sadd.s32 $0x8F2B, s0  }
0xc1: {  	[sflag:s0] =	ssyncadd.remote.s32 $0x1  }
0xc2: {  	_ =	sfence.sel $0xFFFF  }
0xc3: {  	[dreg:$0x0] =	wrdreg $0xFFFFFFFF;
	(pc) =	sbr.abs _section_cstart, $3  }
0xc4: {  	[dreg:$0x1] =	wrdreg $0xFFFFFFFF  }
0xc5: {  	_ =	task.clear_ibuf [dreg:s9], $0x2FFFF;
	_ =	strace $0x9FFFFFFF  }
0xc6: {  	(tm) =	ssettm $0x7FFFFFFF  }
0xc7: {  	_ =	shalt  }
tec
execute0_lowered:
.L_overlay_start_1:
0x0: {  	(tag) =	ssettag $0x1  }
0x1: {  	s7 =	rddreg [dreg:$0x0]  }
0x2: {  	s1 =	rddreg [dreg:$0x1]  }
0x3: {  	s19 =	rddreg [dreg:$0x2]  }
0x4: {  	s3 =	rddreg [dreg:$0x3]  }
0x5: {  	s0 =	rddreg [dreg:$0x4]  }
0x6: {  	s4 =	simm.s32 $0x0;
	s5 =	srdreg.scid;
	s2 =	stileid.u32  }
0x7: {  	[smem:$0x7FF] =	sst s4;
	s24 =	sand.u32 $0x1, s5;
	s28 =	sshll.u32 s2, $0x7  }
0x8: {  	s6 =	sshll.u32 s2, $0xA;
	s31 =	sshll.u32 s2, $0x6;
	s8 =	sshll.u32 s24, $0x9  }
0x9: {  	s5 =	smin.u32 s28, $0x750;
	_ =	strace $0x80000047;
	s20 =	sor.u32 s8, s6  }
0xa: {  	s29 =	sshll.u32 s5, $0x7;
	s5 =	sshll.u32 s5, $0x4;
	s6 =	sor.u32 $0x1C03, s31  }
0xb: {  	s30 =	sadd.s32 s29, s3;
	s5 =	sadd.s32 s1, s5;
	s9 =	sshrl.u32 s20, $0x3  }
0xc: {  	s7 =	sadd.s32 s7, s9;
	s8 =	sshrl.u32 s30, $0x3;
	s9 =	simm.s32 $0x4  }
0xd: {  	[spmem:s8], [sflag:s6] =	dma.local [hbm:s5], $0x800  }
0xe: {  	[tilespmem:s4], [sflag:$0x4] =	stream.linear.gather [hbm4b:s7+s4], $0x200, $0x38;
	[tilespmem:$0x14080] =	vst v63  }
0xf: {  	_ =	swait.ge [sflag:s9], $0x200  }
0x10: {  	s10 =	simm.s32 $0x80;
	[sflag:s9] =	ssyncset.done $0x0  }
0x11: {  	s11 =	simm.s32 $0x200;
	s12 =	simm.s32 $0x3;
	[sflag:s9] =	ssyncadd.s32 $0xFFFFFE00  }
0x12: {  	[tilespmem:s11], [sflag:$0x1] =	stream.indirect.gather [hbm4b:s1+s10], $0x80, s4, s10, $0xb8;
	[tilespmem:$0x14080] =	vst v63  }
0x13: {  	_ =	swait.ge [sflag:s12], $0x800  }
0x14: {  	[sflag:s12] =	ssyncset.done $0x0  }
0x15: {  	[sflag:s12] =	ssyncadd.s32 $0xFFFFF800  }
0x16: {  	s13 =	simm.s32 $0x4200;
	[bflag:$0x0] =	sbarrier.arrive $0xFFFF  }
0x17: {  	[tilespmem:s13], [sflag:$0x1] =	stream.indirect.gather [spmem:s3], $0x80, s10, s10, $0xb8;
	[tilespmem:$0x14080] =	vst v63  }
0x18: {  	s14 =	simm.s32 $0x100;
	s15 =	simm.s32 $0x8200  }
0x19: {  	[tilespmem:s15], [sflag:$0x1] =	stream.indirect.gather [spmem:s3], $0x80, s14, s10, $0xb8;
	[tilespmem:$0x14080] =	vst v63  }
0x1a: {  	s16 =	simm.s32 $0x180;
	s17 =	simm.s32 $0xC200;
	s18 =	simm.s32 $0x1  }
0x1b: {  	[tilespmem:s17], [sflag:$0x1] =	stream.indirect.gather [spmem:s3], $0x80, s16, s10, $0xb8;
	[tilespmem:$0x14080] =	vst v63  }
0x1c: {  	_ =	swait.ge [sflag:s18], $0x4000  }
0x1d: {  	s20 =	sshll.u32 s20, $0x4;
	[sflag:s18] =	ssyncset.done $0x0  }
0x1e: {  	s19 =	sadd.s32 s19, s20;
	[sflag:s18] =	ssyncadd.s32 $0xFFFFC000  }
0x1f: {  	[hbm4b:s19+s4] =	stream.linear.scatter [tilespmem:s11], [sflag:$0x2], $0x4000, $0x38;
	[tilespmem:$0x14080] =	vst v63  }
0x20: {  	_ =	swait.ge [sflag:s18], $0x4000  }
0x21: {  	[sflag:s18] =	ssyncset.done $0x0  }
0x22: {  	s20 =	sadd.s32 $0x800, s19;
	[sflag:s18] =	ssyncadd.s32 $0xFFFFC000  }
0x23: {  	[hbm4b:s20+s4] =	stream.linear.scatter [tilespmem:s13], [sflag:$0x2], $0x4000, $0x38;
	[tilespmem:$0x14080] =	vst v63  }
0x24: {  	_ =	swait.ge [sflag:s18], $0x4000  }
0x25: {  	[sflag:s18] =	ssyncset.done $0x0  }
0x26: {  	s21 =	sadd.s32 $0x1000, s19;
	[sflag:s18] =	ssyncadd.s32 $0xFFFFC000  }
0x27: {  	[hbm4b:s21+s4] =	stream.linear.scatter [tilespmem:s15], [sflag:$0x2], $0x4000, $0x38;
	[tilespmem:$0x14080] =	vst v63  }
0x28: {  	_ =	swait.ge [sflag:s18], $0x4000  }
0x29: {  	[sflag:s18] =	ssyncset.done $0x0  }
0x2a: {  	s22 =	simm.s32 $0x2;
	s23 =	sadd.s32 $0x1800, s19;
	[sflag:s18] =	ssyncadd.s32 $0xFFFFC000  }
0x2b: {  	[hbm4b:s23+s4] =	stream.linear.scatter [tilespmem:s17], [sflag:$0x2], $0x4000, $0x38;
	[tilespmem:$0x14080] =	vst v63  }
0x2c: {  	_ =	swait.ge [sflag:s22], $0x4000  }
0x2d: {  	s24 =	ssub.s32 $0x2, s24;
	[sflag:s22] =	ssyncset.done $0x0  }
0x2e: {  	s25 =	sshrl.u32 s24, $0x1;
	[sflag:s22] =	ssyncadd.s32 $0xFFFFC000  }
0x2f: {  	s24 =	ssub.s32 s24, s25;
	_ =	swait.ge [sflag:s22], $0x4000  }
0x30: {  	s24 =	smax.u32 s24, $0x1;
	[sflag:s22] =	ssyncset.done $0x0  }
0x31: {  	p0 =	sne.s32 s24, $0x1;
	[sflag:s22] =	ssyncadd.s32 $0xFFFFC000  }
.Ltmp0:
0x32: {  	_ =	swait.ge [sflag:s22], $0x4000;
	(pc) =	sbr.rel @!p0 .LBB2_2-.Ltmp0, $4  }
0x33: {  	[sflag:s22] =	ssyncset.done $0x0  }
0x34: {  	[sflag:s22] =	ssyncadd.s32 $0xFFFFC000  }
0x35: {  	_ =	swait.ge [sflag:s22], $0x4000  }
0x36: {  	s24 =	sadd.s32 $0xFFFFFFFF, s24;
	[sflag:s22] =	ssyncset.done $0x0  }
.LBB2_1:
0x37: {  	p0 =	sne.s32 s24, $0x1;
	s24 =	sadd.s32 $0xFFFFFFFF, s24;
	[sflag:s22] =	ssyncadd.s32 $0xFFFFC000  }
0x38: {  	[spmem:s8], [sflag:s6] =	dma.local [hbm:s5], $0x800  }
0x39: {  	[tilespmem:s4], [sflag:$0x4] =	stream.linear.gather [hbm4b:s7+s4], $0x200, $0x38;
	[tilespmem:$0x14080] =	vst v63  }
0x3a: {  	_ =	swait.ge [sflag:s9], $0x200  }
0x3b: {  	[sflag:s9] =	ssyncset.done $0x0  }
0x3c: {  	[sflag:s9] =	ssyncadd.s32 $0xFFFFFE00  }
0x3d: {  	[tilespmem:s11], [sflag:$0x1] =	stream.indirect.gather [hbm4b:s1+s10], $0x80, s4, s10, $0xb8;
	[tilespmem:$0x14080] =	vst v63  }
0x3e: {  	_ =	swait.ge [sflag:s12], $0x800  }
0x3f: {  	[sflag:s12] =	ssyncset.done $0x0  }
0x40: {  	[sflag:s12] =	ssyncadd.s32 $0xFFFFF800  }
0x41: {  	[bflag:$0x0] =	sbarrier.arrive $0xFFFF  }
0x42: {  	[tilespmem:s13], [sflag:$0x1] =	stream.indirect.gather [spmem:s3], $0x80, s10, s10, $0xb8;
	[tilespmem:$0x14080] =	vst v63  }
0x43: {  	_ = 	snop  }
0x44: {  	[tilespmem:s15], [sflag:$0x1] =	stream.indirect.gather [spmem:s3], $0x80, s14, s10, $0xb8;
	[tilespmem:$0x14080] =	vst v63  }
0x45: {  	_ = 	snop  }
0x46: {  	[tilespmem:s17], [sflag:$0x1] =	stream.indirect.gather [spmem:s3], $0x80, s16, s10, $0xb8;
	[tilespmem:$0x14080] =	vst v63  }
0x47: {  	_ =	swait.ge [sflag:s18], $0x4000  }
0x48: {  	[sflag:s18] =	ssyncset.done $0x0  }
0x49: {  	[sflag:s18] =	ssyncadd.s32 $0xFFFFC000  }
0x4a: {  	[hbm4b:s19+s4] =	stream.linear.scatter [tilespmem:s11], [sflag:$0x2], $0x4000, $0x38;
	[tilespmem:$0x14080] =	vst v63  }
0x4b: {  	_ =	swait.ge [sflag:s18], $0x4000  }
0x4c: {  	[sflag:s18] =	ssyncset.done $0x0  }
0x4d: {  	[sflag:s18] =	ssyncadd.s32 $0xFFFFC000  }
0x4e: {  	[hbm4b:s20+s4] =	stream.linear.scatter [tilespmem:s13], [sflag:$0x2], $0x4000, $0x38;
	[tilespmem:$0x14080] =	vst v63  }
0x4f: {  	_ =	swait.ge [sflag:s18], $0x4000  }
0x50: {  	[sflag:s18] =	ssyncset.done $0x0  }
0x51: {  	[sflag:s18] =	ssyncadd.s32 $0xFFFFC000  }
0x52: {  	[hbm4b:s21+s4] =	stream.linear.scatter [tilespmem:s15], [sflag:$0x2], $0x4000, $0x38;
	[tilespmem:$0x14080] =	vst v63  }
0x53: {  	_ =	swait.ge [sflag:s18], $0x4000  }
0x54: {  	[sflag:s18] =	ssyncset.done $0x0  }
0x55: {  	[sflag:s18] =	ssyncadd.s32 $0xFFFFC000  }
0x56: {  	[hbm4b:s23+s4] =	stream.linear.scatter [tilespmem:s17], [sflag:$0x2], $0x4000, $0x38;
	[tilespmem:$0x14080] =	vst v63  }
0x57: {  	_ =	swait.ge [sflag:s22], $0x4000  }
0x58: {  	[sflag:s22] =	ssyncset.done $0x0  }
0x59: {  	[sflag:s22] =	ssyncadd.s32 $0xFFFFC000  }
0x5a: {  	_ =	swait.ge [sflag:s22], $0x4000  }
0x5b: {  	[sflag:s22] =	ssyncset.done $0x0  }
0x5c: {  	[sflag:s22] =	ssyncadd.s32 $0xFFFFC000  }
.Ltmp1:
0x5d: {  	_ =	swait.ge [sflag:s22], $0x4000;
	(pc) =	sbr.rel @p0 .LBB2_1-.Ltmp1, $4  }
0x5e: {  	[sflag:s22] =	ssyncset.done $0x0  }
0x5f: {  	[sflag:s22] =	ssyncadd.s32 $0xFFFFC000  }
0x60: {  	_ =	swait.ge [sflag:s22], $0x4000  }
0x61: {  	[sflag:s22] =	ssyncset.done $0x0  }
.LBB2_2:
0x62: {  	[sflag:s22] =	ssyncadd.s32 $0xFFFFC000  }
0x63: {  	_ =	sfence.sel $0x180000  }
0x64: {  	[bflag:$0x0] =	sbarrier.arrive $0xFFFF  }
0x65: {  	p0 =	sne.s32 s2, $0x0;
	_ =	strace $0x90000047  }
0x66: {  	s0 =	sadd.s32 @!p0 $0x100000, s0;
	[bflag:$0x2] =	sbarrier.arrive $0xFFFF  }
0x67: {  	[sflag:s0] =	ssyncadd.tile.s32 @!p0 $0x1;
	_ =	shalt  }
.Lfunc_end2:
_tile_overlayer_lowered:
.L_overlay_start_2:
0x68: {  	(tag) =	ssettag $0x2  }
0x69: {  	s0 =	rddreg [dreg:$0x0];
	s2 =	stileid.u32  }
0x6a: {  	s1 =	rddreg [dreg:$0x1];
	p0 =	sne.s32 s2, $0x0  }
0x6b: {  	s3 =	rddreg [dreg:$0x2];
	[bflag:$0x3] =	sbarrier.arrive $0xFFFF;
	s2 =	simm.s32 @!p0 $0x1C04  }
0x6c: {  	[timem:s3], [sflag:s2] =	dma.local @!p0 [hbm:s0], s1  }
0x6d: {  	s0 =	simm.s32 @!p0 $0x4  }
0x6e: {  	_ =	swait.ge @!p0 [sflag:s0], s1  }
0x6f: {  	s1 =	ssub.s32 @!p0 $0x0, s1;
	[sflag:s0] =	ssyncset.done @!p0 $0x0  }
0x70: {  	[sflag:s0] =	ssyncadd.s32 @!p0 s1  }
0x71: {  	[bflag:$0x3] =	sbarrier.arrive $0xFFFF  }
0x72: {  	_ =	shalt  }

</sc_bundles>
